<compile_context>
chip_gen: v7x
topology: tpu7x:2x2x1
jax: 0.10.2.dev20260603
libtpu: 0.0.44.dev20260713+nightly
codegen_flags: <defaults>
</compile_context>

<pallas_src>
import functools

import jax
import jax.numpy as jnp
from jax import lax
from jax.experimental import pallas as pl
from jax.experimental.pallas import tpu as pltpu
from jax.experimental.pallas import tpu_sc as plsc

D_MODEL = 128
N_VOCAB = 5
N_WORKERS = 32
N_SUBCORES = 16

NBUF = 8
CHUNK = 40


def _fuse_table_body(emb_ref, base_ref, out_ref):
    out_ref[...] = emb_ref[...] + base_ref[...]


def _fuse_table(emb_key, base_action_emb):
    return pl.pallas_call(
        _fuse_table_body,
        out_shape=jax.ShapeDtypeStruct((N_VOCAB, D_MODEL), jnp.float32),
    )(emb_key, base_action_emb.reshape(1, D_MODEL))


def _sc_lookup_body(table_hbm, idx_hbm, out_hbm, table_v, rows_v, idx_all,
                    sem_g, sem_s):
    n_idx = idx_hbm.shape[0]
    n_w = n_idx // N_WORKERS
    n_chunks = n_w // CHUNK
    sid = lax.axis_index("s")
    wid = sid * 2 + lax.axis_index("c")
    base = wid * n_w

    @pl.when(sid == 0)
    def _():
        pltpu.sync_copy(table_hbm, table_v)

    plsc.subcore_barrier()
    pltpu.sync_copy(idx_hbm.at[pl.ds(base, n_w)], idx_all)

    def gather_start(chunk, buf):
        pltpu.async_copy(
            table_v.at[idx_all.at[pl.ds(chunk * CHUNK, CHUNK)]],
            rows_v.at[buf],
            sem_g.at[buf],
        )

    def gather_wait(buf):
        pltpu.make_async_copy(
            table_v.at[idx_all.at[pl.ds(0, CHUNK)]], rows_v.at[buf],
            sem_g.at[buf],
        ).wait()

    def scatter_start(chunk, buf):
        pltpu.async_copy(
            rows_v.at[buf],
            out_hbm.at[pl.ds(base + chunk * CHUNK, CHUNK)],
            sem_s.at[buf],
        )

    def scatter_wait(buf):
        pltpu.make_async_copy(
            rows_v.at[buf], out_hbm.at[pl.ds(base, CHUNK)],
            sem_s.at[buf],
        ).wait()

    for b in range(NBUF):
        gather_start(b, b)

    def body(i, _):
        b = lax.rem(i, NBUF)
        gather_wait(b)
        scatter_start(i, b)
        nxt = i + NBUF

        @pl.when(nxt < n_chunks)
        def _():
            scatter_wait(b)
            gather_start(nxt, b)

        return 0

    lax.fori_loop(0, n_chunks, body, 0)
    for b in range(NBUF):
        scatter_wait(b)


def _sc_lookup(table, idx_flat):
    n_idx = idx_flat.shape[0]
    n_w = n_idx // N_WORKERS
    mesh = plsc.VectorSubcoreMesh(core_axis_name="c", subcore_axis_name="s")
    f = functools.partial(
        pl.kernel,
        mesh=mesh,
        out_type=jax.ShapeDtypeStruct((n_idx, D_MODEL), jnp.float32),
        scratch_types=[
            pltpu.VMEM_SHARED((N_VOCAB, D_MODEL), jnp.float32),
            pltpu.VMEM((NBUF, CHUNK, D_MODEL), jnp.float32),
            pltpu.VMEM((n_w,), jnp.int32),
            pltpu.SemaphoreType.DMA((NBUF,)),
            pltpu.SemaphoreType.DMA((NBUF,)),
        ],
    )(_sc_lookup_body)
    return f(table, idx_flat)


def kernel(actions, emb_key, base_action_emb):
    B, T = actions.shape
    fused = _fuse_table(emb_key, base_action_emb)
    idx_flat = actions.reshape(-1).astype(jnp.int32)
    out_flat = _sc_lookup(fused, idx_flat)
    return out_flat.reshape(B, T, 1, D_MODEL)

# --- scband reference (transcript-rebuilt; emitter-appended) ---
"""Pipeline reference for scband-action-encoder-2061584302936 (READ-ONLY COPY).

The authoritative reference and input builder live on the scoring server;
editing this copy changes nothing except your own understanding.
"""

import jax, jax.numpy as jnp
import numpy as np

D_MODEL = 128
N_KEYBOARD = 5
B, T = 4096, 200


def setup_inputs(seed: int = 0) -> dict:
    key = jax.random.key(seed)
    k1, k2, k3 = jax.random.split(key, 3)
    actions = jax.random.randint(k1, (B, T), 0, N_KEYBOARD, dtype=jnp.int64)
    emb_key = jax.random.normal(k2, (N_KEYBOARD, D_MODEL), dtype=jnp.float32) * 0.02
    base_action_emb = jax.random.normal(k3, (D_MODEL,), dtype=jnp.float32) * 0.02
    return {"actions": actions, "emb_key": emb_key, "base_action_emb": base_action_emb}


def reference(actions, emb_key, base_action_emb):
    # nn.Embed lookup -> gather rows of table
    emb = jnp.take(emb_key, actions, axis=0)  # [B, T, d_model]
    out = emb + base_action_emb
    # as_tokens=True -> insert token axis
    out = out[:, :, None, :]  # [B, T, 1, d_model]
    return out

if __name__ == "__main__":
    import jax
    _d = setup_inputs()
    print(jax.jit(kernel)(*tuple(_d.values())))

</pallas_src>

<mosaic_0001>
#map = affine_map<(d0, d1) -> (0, 0)>
#map1 = affine_map<(d0, d1) -> (0)>
module attributes {stable_mosaic.version = 14 : i64} {
  func.func @_sc_lookup_body(%arg0: i32, %arg1: i32, %arg2: memref<5x128xf32, #tpu.memory_space<hbm>>, %arg3: memref<819200xi32, #tpu.memory_space<hbm>>, %arg4: memref<819200x128xf32, #tpu.memory_space<hbm>>, %arg5: memref<5x128xf32, #tpu.memory_space<vmem_shared>>, %arg6: memref<8x40x128xf32, #tpu.memory_space<vmem>>, %arg7: memref<25600xi32, #tpu.memory_space<vmem>>, %arg8: memref<8x!tpu.dma_semaphore, #tpu.memory_space<semaphore_mem>>, %arg9: memref<8x!tpu.dma_semaphore, #tpu.memory_space<semaphore_mem>>) attributes {dimension_semantics = [#tpu.dimension_semantics<core_parallel>, #tpu.dimension_semantics<subcore_parallel>], iteration_bounds = array<i64: 2, 16>, scalar_prefetch = 0 : i64, scratch_operands = 5 : i64, tpu.core_type = #tpu.core_type<sc_vector_subcore>, window_params = [{transform_indices = #map}, {transform_indices = #map1}, {transform_indices = #map}]} {
    %mul3A = arith.constant 2 : i32
    %mul3A_0 = arith.muli %arg1, %mul3A : i32
    %add3A = arith.addi %mul3A_0, %arg0 : i32
    %mul3A_1 = arith.constant 25600 : i32
    %mul3A_2 = arith.muli %add3A, %mul3A_1 : i32
    %eq3A = arith.constant 0 : i32
    %eq3A_3 = arith.cmpi eq, %arg1, %eq3A : i32
    %convert_element_type3A = arith.extui %eq3A_3 : i1 to i32
    %cond3A = arith.constant 0 : i32
    %cond3A_4 = arith.cmpi ne, %convert_element_type3A, %cond3A : i32
    scf.if %cond3A_4 {
      "tpu.region"() ({
        %run_scoped3A = tpu.sem_alloc : memref<!tpu.dma_semaphore, #tpu.memory_space<semaphore_mem>>
        tpu.enqueue_dma source(%arg2 : memref<5x128xf32, #tpu.memory_space<hbm>>) target(%arg5 : memref<5x128xf32, #tpu.memory_space<vmem_shared>>) target_semaphore(%run_scoped3A : memref<!tpu.dma_semaphore, #tpu.memory_space<semaphore_mem>>)
        tpu.wait_dma2 semaphore(%run_scoped3A : memref<!tpu.dma_semaphore, #tpu.memory_space<semaphore_mem>>) src(%arg2 : memref<5x128xf32, #tpu.memory_space<hbm>>) dst(%arg5 : memref<5x128xf32, #tpu.memory_space<vmem_shared>>)
        tpu.yield
      }) : () -> ()
    } else {
    }
    %barrier3A = arith.constant 0 : index
    tpu.barrier barrier_id(%barrier3A)
    "tpu.region"() ({
      %run_scoped3A = tpu.sem_alloc : memref<!tpu.dma_semaphore, #tpu.memory_space<semaphore_mem>>
      %dma_start3A_241 = tpu.memref_slice %arg3[%mul3A_2] : memref<819200xi32, #tpu.memory_space<hbm>> -> memref<25600xi32, #tpu.memory_space<hbm>>
      %dma_start3A_242 = tpu.memref_slice %arg3[%mul3A_2] : memref<819200xi32, #tpu.memory_space<hbm>> -> memref<25600xi32, #tpu.memory_space<hbm>>
      tpu.enqueue_dma source(%dma_start3A_242 : memref<25600xi32, #tpu.memory_space<hbm>>) target(%arg7 : memref<25600xi32, #tpu.memory_space<vmem>>) target_semaphore(%run_scoped3A : memref<!tpu.dma_semaphore, #tpu.memory_space<semaphore_mem>>)
      %dma_wait3A_243 = tpu.memref_slice %arg3[%mul3A_2] : memref<819200xi32, #tpu.memory_space<hbm>> -> memref<25600xi32, #tpu.memory_space<hbm>>
      %dma_wait3A_244 = tpu.memref_slice %arg3[%mul3A_2] : memref<819200xi32, #tpu.memory_space<hbm>> -> memref<25600xi32, #tpu.memory_space<hbm>>
      tpu.wait_dma2 semaphore(%run_scoped3A : memref<!tpu.dma_semaphore, #tpu.memory_space<semaphore_mem>>) src(%dma_wait3A_244 : memref<25600xi32, #tpu.memory_space<hbm>>) dst(%arg7 : memref<25600xi32, #tpu.memory_space<vmem>>)
      tpu.yield
    }) : () -> ()
    %dma_start3A = arith.constant 0 : i32
    %dma_start3A_5 = arith.constant 0 : i32
    %dma_start3A_6 = arith.constant 0 : i32
    %dma_start3A_7 = arith.constant 0 : i32
    %dma_start3A_8 = tpu.memref_slice %arg6[%dma_start3A, %dma_start3A_6, %dma_start3A_7] : memref<8x40x128xf32, #tpu.memory_space<vmem>> -> memref<1x40x128xf32, #tpu.memory_space<vmem>>
    %dma_start3A_9 = tpu.memref_squeeze %dma_start3A_8 : memref<1x40x128xf32, #tpu.memory_space<vmem>> -> memref<40x128xf32, #tpu.memory_space<vmem>>
    %dma_start3A_10 = arith.constant 0 : i32
    %dma_start3A_11 = tpu.memref_slice %arg7[%dma_start3A_10] : memref<25600xi32, #tpu.memory_space<vmem>> -> memref<40xi32, #tpu.memory_space<vmem>>
    %dma_start3A_12 = arith.constant 0 : i32
    %dma_start3A_13 = arith.constant 0 : i32
    %dma_start3A_14 = tpu.memref_slice %arg5[%dma_start3A_12, %dma_start3A_13] : memref<5x128xf32, #tpu.memory_space<vmem_shared>> -> memref<5x128xf32, #tpu.memory_space<vmem_shared>>
    %dma_start3A_15 = tpu.memref_slice %arg8[%dma_start3A_5] : memref<8x!tpu.dma_semaphore, #tpu.memory_space<semaphore_mem>> -> memref<1x!tpu.dma_semaphore, #tpu.memory_space<semaphore_mem>>
    %dma_start3A_16 = tpu.memref_squeeze %dma_start3A_15 : memref<1x!tpu.dma_semaphore, #tpu.memory_space<semaphore_mem>> -> memref<!tpu.dma_semaphore, #tpu.memory_space<semaphore_mem>>
    tpu.enqueue_indirect_dma source(%dma_start3A_14 : memref<5x128xf32, #tpu.memory_space<vmem_shared>>) target(%dma_start3A_9 : memref<40x128xf32, #tpu.memory_space<vmem>>) offsets(%dma_start3A_11 : memref<40xi32, #tpu.memory_space<vmem>>) semaphore(%dma_start3A_16 : memref<!tpu.dma_semaphore, #tpu.memory_space<semaphore_mem>>)
    %dma_start3A_17 = arith.constant 1 : i32
    %dma_start3A_18 = arith.constant 1 : i32
    %dma_start3A_19 = arith.constant 0 : i32
    %dma_start3A_20 = arith.constant 0 : i32
    %dma_start3A_21 = tpu.memref_slice %arg6[%dma_start3A_17, %dma_start3A_19, %dma_start3A_20] : memref<8x40x128xf32, #tpu.memory_space<vmem>> -> memref<1x40x128xf32, #tpu.memory_space<vmem>>
    %dma_start3A_22 = tpu.memref_squeeze %dma_start3A_21 : memref<1x40x128xf32, #tpu.memory_space<vmem>> -> memref<40x128xf32, #tpu.memory_space<vmem>>
    %dma_start3A_23 = arith.constant 40 : i32
    %dma_start3A_24 = tpu.memref_slice %arg7[%dma_start3A_23] : memref<25600xi32, #tpu.memory_space<vmem>> -> memref<40xi32, #tpu.memory_space<vmem>>
    %dma_start3A_25 = arith.constant 0 : i32
    %dma_start3A_26 = arith.constant 0 : i32
    %dma_start3A_27 = tpu.memref_slice %arg5[%dma_start3A_25, %dma_start3A_26] : memref<5x128xf32, #tpu.memory_space<vmem_shared>> -> memref<5x128xf32, #tpu.memory_space<vmem_shared>>
    %dma_start3A_28 = tpu.memref_slice %arg8[%dma_start3A_18] : memref<8x!tpu.dma_semaphore, #tpu.memory_space<semaphore_mem>> -> memref<1x!tpu.dma_semaphore, #tpu.memory_space<semaphore_mem>>
    %dma_start3A_29 = tpu.memref_squeeze %dma_start3A_28 : memref<1x!tpu.dma_semaphore, #tpu.memory_space<semaphore_mem>> -> memref<!tpu.dma_semaphore, #tpu.memory_space<semaphore_mem>>
    tpu.enqueue_indirect_dma source(%dma_start3A_27 : memref<5x128xf32, #tpu.memory_space<vmem_shared>>) target(%dma_start3A_22 : memref<40x128xf32, #tpu.memory_space<vmem>>) offsets(%dma_start3A_24 : memref<40xi32, #tpu.memory_space<vmem>>) semaphore(%dma_start3A_29 : memref<!tpu.dma_semaphore, #tpu.memory_space<semaphore_mem>>)
    %dma_start3A_30 = arith.constant 2 : i32
    %dma_start3A_31 = arith.constant 2 : i32
    %dma_start3A_32 = arith.constant 0 : i32
    %dma_start3A_33 = arith.constant 0 : i32
    %dma_start3A_34 = tpu.memref_slice %arg6[%dma_start3A_30, %dma_start3A_32, %dma_start3A_33] : memref<8x40x128xf32, #tpu.memory_space<vmem>> -> memref<1x40x128xf32, #tpu.memory_space<vmem>>
    %dma_start3A_35 = tpu.memref_squeeze %dma_start3A_34 : memref<1x40x128xf32, #tpu.memory_space<vmem>> -> memref<40x128xf32, #tpu.memory_space<vmem>>
    %dma_start3A_36 = arith.constant 80 : i32
    %dma_start3A_37 = tpu.memref_slice %arg7[%dma_start3A_36] : memref<25600xi32, #tpu.memory_space<vmem>> -> memref<40xi32, #tpu.memory_space<vmem>>
    %dma_start3A_38 = arith.constant 0 : i32
    %dma_start3A_39 = arith.constant 0 : i32
    %dma_start3A_40 = tpu.memref_slice %arg5[%dma_start3A_38, %dma_start3A_39] : memref<5x128xf32, #tpu.memory_space<vmem_shared>> -> memref<5x128xf32, #tpu.memory_space<vmem_shared>>
    %dma_start3A_41 = tpu.memref_slice %arg8[%dma_start3A_31] : memref<8x!tpu.dma_semaphore, #tpu.memory_space<semaphore_mem>> -> memref<1x!tpu.dma_semaphore, #tpu.memory_space<semaphore_mem>>
    %dma_start3A_42 = tpu.memref_squeeze %dma_start3A_41 : memref<1x!tpu.dma_semaphore, #tpu.memory_space<semaphore_mem>> -> memref<!tpu.dma_semaphore, #tpu.memory_space<semaphore_mem>>
    tpu.enqueue_indirect_dma source(%dma_start3A_40 : memref<5x128xf32, #tpu.memory_space<vmem_shared>>) target(%dma_start3A_35 : memref<40x128xf32, #tpu.memory_space<vmem>>) offsets(%dma_start3A_37 : memref<40xi32, #tpu.memory_space<vmem>>) semaphore(%dma_start3A_42 : memref<!tpu.dma_semaphore, #tpu.memory_space<semaphore_mem>>)
    %dma_start3A_43 = arith.constant 3 : i32
    %dma_start3A_44 = arith.constant 3 : i32
    %dma_start3A_45 = arith.constant 0 : i32
    %dma_start3A_46 = arith.constant 0 : i32
    %dma_start3A_47 = tpu.memref_slice %arg6[%dma_start3A_43, %dma_start3A_45, %dma_start3A_46] : memref<8x40x128xf32, #tpu.memory_space<vmem>> -> memref<1x40x128xf32, #tpu.memory_space<vmem>>
    %dma_start3A_48 = tpu.memref_squeeze %dma_start3A_47 : memref<1x40x128xf32, #tpu.memory_space<vmem>> -> memref<40x128xf32, #tpu.memory_space<vmem>>
    %dma_start3A_49 = arith.constant 120 : i32
    %dma_start3A_50 = tpu.memref_slice %arg7[%dma_start3A_49] : memref<25600xi32, #tpu.memory_space<vmem>> -> memref<40xi32, #tpu.memory_space<vmem>>
    %dma_start3A_51 = arith.constant 0 : i32
    %dma_start3A_52 = arith.constant 0 : i32
    %dma_start3A_53 = tpu.memref_slice %arg5[%dma_start3A_51, %dma_start3A_52] : memref<5x128xf32, #tpu.memory_space<vmem_shared>> -> memref<5x128xf32, #tpu.memory_space<vmem_shared>>
    %dma_start3A_54 = tpu.memref_slice %arg8[%dma_start3A_44] : memref<8x!tpu.dma_semaphore, #tpu.memory_space<semaphore_mem>> -> memref<1x!tpu.dma_semaphore, #tpu.memory_space<semaphore_mem>>
    %dma_start3A_55 = tpu.memref_squeeze %dma_start3A_54 : memref<1x!tpu.dma_semaphore, #tpu.memory_space<semaphore_mem>> -> memref<!tpu.dma_semaphore, #tpu.memory_space<semaphore_mem>>
    tpu.enqueue_indirect_dma source(%dma_start3A_53 : memref<5x128xf32, #tpu.memory_space<vmem_shared>>) target(%dma_start3A_48 : memref<40x128xf32, #tpu.memory_space<vmem>>) offsets(%dma_start3A_50 : memref<40xi32, #tpu.memory_space<vmem>>) semaphore(%dma_start3A_55 : memref<!tpu.dma_semaphore, #tpu.memory_space<semaphore_mem>>)
    %dma_start3A_56 = arith.constant 4 : i32
    %dma_start3A_57 = arith.constant 4 : i32
    %dma_start3A_58 = arith.constant 0 : i32
    %dma_start3A_59 = arith.constant 0 : i32
    %dma_start3A_60 = tpu.memref_slice %arg6[%dma_start3A_56, %dma_start3A_58, %dma_start3A_59] : memref<8x40x128xf32, #tpu.memory_space<vmem>> -> memref<1x40x128xf32, #tpu.memory_space<vmem>>
    %dma_start3A_61 = tpu.memref_squeeze %dma_start3A_60 : memref<1x40x128xf32, #tpu.memory_space<vmem>> -> memref<40x128xf32, #tpu.memory_space<vmem>>
    %dma_start3A_62 = arith.constant 160 : i32
    %dma_start3A_63 = tpu.memref_slice %arg7[%dma_start3A_62] : memref<25600xi32, #tpu.memory_space<vmem>> -> memref<40xi32, #tpu.memory_space<vmem>>
    %dma_start3A_64 = arith.constant 0 : i32
    %dma_start3A_65 = arith.constant 0 : i32
    %dma_start3A_66 = tpu.memref_slice %arg5[%dma_start3A_64, %dma_start3A_65] : memref<5x128xf32, #tpu.memory_space<vmem_shared>> -> memref<5x128xf32, #tpu.memory_space<vmem_shared>>
    %dma_start3A_67 = tpu.memref_slice %arg8[%dma_start3A_57] : memref<8x!tpu.dma_semaphore, #tpu.memory_space<semaphore_mem>> -> memref<1x!tpu.dma_semaphore, #tpu.memory_space<semaphore_mem>>
    %dma_start3A_68 = tpu.memref_squeeze %dma_start3A_67 : memref<1x!tpu.dma_semaphore, #tpu.memory_space<semaphore_mem>> -> memref<!tpu.dma_semaphore, #tpu.memory_space<semaphore_mem>>
    tpu.enqueue_indirect_dma source(%dma_start3A_66 : memref<5x128xf32, #tpu.memory_space<vmem_shared>>) target(%dma_start3A_61 : memref<40x128xf32, #tpu.memory_space<vmem>>) offsets(%dma_start3A_63 : memref<40xi32, #tpu.memory_space<vmem>>) semaphore(%dma_start3A_68 : memref<!tpu.dma_semaphore, #tpu.memory_space<semaphore_mem>>)
    %dma_start3A_69 = arith.constant 5 : i32
    %dma_start3A_70 = arith.constant 5 : i32
    %dma_start3A_71 = arith.constant 0 : i32
    %dma_start3A_72 = arith.constant 0 : i32
    %dma_start3A_73 = tpu.memref_slice %arg6[%dma_start3A_69, %dma_start3A_71, %dma_start3A_72] : memref<8x40x128xf32, #tpu.memory_space<vmem>> -> memref<1x40x128xf32, #tpu.memory_space<vmem>>
    %dma_start3A_74 = tpu.memref_squeeze %dma_start3A_73 : memref<1x40x128xf32, #tpu.memory_space<vmem>> -> memref<40x128xf32, #tpu.memory_space<vmem>>
    %dma_start3A_75 = arith.constant 200 : i32
    %dma_start3A_76 = tpu.memref_slice %arg7[%dma_start3A_75] : memref<25600xi32, #tpu.memory_space<vmem>> -> memref<40xi32, #tpu.memory_space<vmem>>
    %dma_start3A_77 = arith.constant 0 : i32
    %dma_start3A_78 = arith.constant 0 : i32
    %dma_start3A_79 = tpu.memref_slice %arg5[%dma_start3A_77, %dma_start3A_78] : memref<5x128xf32, #tpu.memory_space<vmem_shared>> -> memref<5x128xf32, #tpu.memory_space<vmem_shared>>
    %dma_start3A_80 = tpu.memref_slice %arg8[%dma_start3A_70] : memref<8x!tpu.dma_semaphore, #tpu.memory_space<semaphore_mem>> -> memref<1x!tpu.dma_semaphore, #tpu.memory_space<semaphore_mem>>
    %dma_start3A_81 = tpu.memref_squeeze %dma_start3A_80 : memref<1x!tpu.dma_semaphore, #tpu.memory_space<semaphore_mem>> -> memref<!tpu.dma_semaphore, #tpu.memory_space<semaphore_mem>>
    tpu.enqueue_indirect_dma source(%dma_start3A_79 : memref<5x128xf32, #tpu.memory_space<vmem_shared>>) target(%dma_start3A_74 : memref<40x128xf32, #tpu.memory_space<vmem>>) offsets(%dma_start3A_76 : memref<40xi32, #tpu.memory_space<vmem>>) semaphore(%dma_start3A_81 : memref<!tpu.dma_semaphore, #tpu.memory_space<semaphore_mem>>)
    %dma_start3A_82 = arith.constant 6 : i32
    %dma_start3A_83 = arith.constant 6 : i32
    %dma_start3A_84 = arith.constant 0 : i32
    %dma_start3A_85 = arith.constant 0 : i32
    %dma_start3A_86 = tpu.memref_slice %arg6[%dma_start3A_82, %dma_start3A_84, %dma_start3A_85] : memref<8x40x128xf32, #tpu.memory_space<vmem>> -> memref<1x40x128xf32, #tpu.memory_space<vmem>>
    %dma_start3A_87 = tpu.memref_squeeze %dma_start3A_86 : memref<1x40x128xf32, #tpu.memory_space<vmem>> -> memref<40x128xf32, #tpu.memory_space<vmem>>
    %dma_start3A_88 = arith.constant 240 : i32
    %dma_start3A_89 = tpu.memref_slice %arg7[%dma_start3A_88] : memref<25600xi32, #tpu.memory_space<vmem>> -> memref<40xi32, #tpu.memory_space<vmem>>
    %dma_start3A_90 = arith.constant 0 : i32
    %dma_start3A_91 = arith.constant 0 : i32
    %dma_start3A_92 = tpu.memref_slice %arg5[%dma_start3A_90, %dma_start3A_91] : memref<5x128xf32, #tpu.memory_space<vmem_shared>> -> memref<5x128xf32, #tpu.memory_space<vmem_shared>>
    %dma_start3A_93 = tpu.memref_slice %arg8[%dma_start3A_83] : memref<8x!tpu.dma_semaphore, #tpu.memory_space<semaphore_mem>> -> memref<1x!tpu.dma_semaphore, #tpu.memory_space<semaphore_mem>>
    %dma_start3A_94 = tpu.memref_squeeze %dma_start3A_93 : memref<1x!tpu.dma_semaphore, #tpu.memory_space<semaphore_mem>> -> memref<!tpu.dma_semaphore, #tpu.memory_space<semaphore_mem>>
    tpu.enqueue_indirect_dma source(%dma_start3A_92 : memref<5x128xf32, #tpu.memory_space<vmem_shared>>) target(%dma_start3A_87 : memref<40x128xf32, #tpu.memory_space<vmem>>) offsets(%dma_start3A_89 : memref<40xi32, #tpu.memory_space<vmem>>) semaphore(%dma_start3A_94 : memref<!tpu.dma_semaphore, #tpu.memory_space<semaphore_mem>>)
    %dma_start3A_95 = arith.constant 7 : i32
    %dma_start3A_96 = arith.constant 7 : i32
    %dma_start3A_97 = arith.constant 0 : i32
    %dma_start3A_98 = arith.constant 0 : i32
    %dma_start3A_99 = tpu.memref_slice %arg6[%dma_start3A_95, %dma_start3A_97, %dma_start3A_98] : memref<8x40x128xf32, #tpu.memory_space<vmem>> -> memref<1x40x128xf32, #tpu.memory_space<vmem>>
    %dma_start3A_100 = tpu.memref_squeeze %dma_start3A_99 : memref<1x40x128xf32, #tpu.memory_space<vmem>> -> memref<40x128xf32, #tpu.memory_space<vmem>>
    %dma_start3A_101 = arith.constant 280 : i32
    %dma_start3A_102 = tpu.memref_slice %arg7[%dma_start3A_101] : memref<25600xi32, #tpu.memory_space<vmem>> -> memref<40xi32, #tpu.memory_space<vmem>>
    %dma_start3A_103 = arith.constant 0 : i32
    %dma_start3A_104 = arith.constant 0 : i32
    %dma_start3A_105 = tpu.memref_slice %arg5[%dma_start3A_103, %dma_start3A_104] : memref<5x128xf32, #tpu.memory_space<vmem_shared>> -> memref<5x128xf32, #tpu.memory_space<vmem_shared>>
    %dma_start3A_106 = tpu.memref_slice %arg8[%dma_start3A_96] : memref<8x!tpu.dma_semaphore, #tpu.memory_space<semaphore_mem>> -> memref<1x!tpu.dma_semaphore, #tpu.memory_space<semaphore_mem>>
    %dma_start3A_107 = tpu.memref_squeeze %dma_start3A_106 : memref<1x!tpu.dma_semaphore, #tpu.memory_space<semaphore_mem>> -> memref<!tpu.dma_semaphore, #tpu.memory_space<semaphore_mem>>
    tpu.enqueue_indirect_dma source(%dma_start3A_105 : memref<5x128xf32, #tpu.memory_space<vmem_shared>>) target(%dma_start3A_100 : memref<40x128xf32, #tpu.memory_space<vmem>>) offsets(%dma_start3A_102 : memref<40xi32, #tpu.memory_space<vmem>>) semaphore(%dma_start3A_107 : memref<!tpu.dma_semaphore, #tpu.memory_space<semaphore_mem>>)
    %scan3A = arith.constant 0 : i32
    %scan3A_108 = arith.constant 0 : i32
    %scan3A_109 = arith.constant 640 : i32
    %scan3A_110 = arith.addi %scan3A_108, %scan3A_109 : i32
    %scan3A_111 = arith.constant 1 : i32
    %scan3A_112 = scf.for %scan3A_241 = %scan3A_108 to %scan3A_110 step %scan3A_111 iter_args(%scan3A_242 = %scan3A) -> (i32)  : i32 {
      %rem3A = arith.constant 8 : i32
      %rem3A_243 = arith.remsi %scan3A_241, %rem3A : i32
      %dma_wait3A_244 = arith.constant 0 : i32
      %dma_wait3A_245 = arith.constant 0 : i32
      %dma_wait3A_246 = tpu.memref_slice %arg6[%rem3A_243, %dma_wait3A_244, %dma_wait3A_245] : memref<8x40x128xf32, #tpu.memory_space<vmem>> -> memref<1x40x128xf32, #tpu.memory_space<vmem>>
      %dma_wait3A_247 = tpu.memref_squeeze %dma_wait3A_246 : memref<1x40x128xf32, #tpu.memory_space<vmem>> -> memref<40x128xf32, #tpu.memory_space<vmem>>
      %dma_wait3A_248 = arith.constant 0 : i32
      %dma_wait3A_249 = tpu.memref_slice %arg7[%dma_wait3A_248] : memref<25600xi32, #tpu.memory_space<vmem>> -> memref<40xi32, #tpu.memory_space<vmem>>
      %dma_wait3A_250 = arith.constant 0 : i32
      %dma_wait3A_251 = arith.constant 0 : i32
      %dma_wait3A_252 = tpu.memref_slice %arg5[%dma_wait3A_250, %dma_wait3A_251] : memref<5x128xf32, #tpu.memory_space<vmem_shared>> -> memref<5x128xf32, #tpu.memory_space<vmem_shared>>
      %dma_wait3A_253 = tpu.memref_slice %arg8[%rem3A_243] : memref<8x!tpu.dma_semaphore, #tpu.memory_space<semaphore_mem>> -> memref<1x!tpu.dma_semaphore, #tpu.memory_space<semaphore_mem>>
      %dma_wait3A_254 = tpu.memref_squeeze %dma_wait3A_253 : memref<1x!tpu.dma_semaphore, #tpu.memory_space<semaphore_mem>> -> memref<!tpu.dma_semaphore, #tpu.memory_space<semaphore_mem>>
      tpu.wait_indirect_dma semaphore(%dma_wait3A_254 : memref<!tpu.dma_semaphore, #tpu.memory_space<semaphore_mem>>) src(%dma_wait3A_252 : memref<5x128xf32, #tpu.memory_space<vmem_shared>>) dst(%dma_wait3A_247 : memref<40x128xf32, #tpu.memory_space<vmem>>)
      %mul3A_255 = arith.constant 40 : i32
      %mul3A_256 = arith.muli %scan3A_241, %mul3A_255 : i32
      %add3A_257 = arith.addi %mul3A_2, %mul3A_256 : i32
      %dma_start3A_258 = arith.constant 0 : i32
      %dma_start3A_259 = arith.constant 0 : i32
      %dma_start3A_260 = tpu.memref_slice %arg6[%rem3A_243, %dma_start3A_258, %dma_start3A_259] : memref<8x40x128xf32, #tpu.memory_space<vmem>> -> memref<1x40x128xf32, #tpu.memory_space<vmem>>
      %dma_start3A_261 = tpu.memref_squeeze %dma_start3A_260 : memref<1x40x128xf32, #tpu.memory_space<vmem>> -> memref<40x128xf32, #tpu.memory_space<vmem>>
      %dma_start3A_262 = arith.constant 0 : i32
      %dma_start3A_263 = tpu.memref_slice %arg4[%add3A_257, %dma_start3A_262] : memref<819200x128xf32, #tpu.memory_space<hbm>> -> memref<40x128xf32, #tpu.memory_space<hbm>>
      %dma_start3A_264 = tpu.memref_slice %arg9[%rem3A_243] : memref<8x!tpu.dma_semaphore, #tpu.memory_space<semaphore_mem>> -> memref<1x!tpu.dma_semaphore, #tpu.memory_space<semaphore_mem>>
      %dma_start3A_265 = tpu.memref_squeeze %dma_start3A_264 : memref<1x!tpu.dma_semaphore, #tpu.memory_space<semaphore_mem>> -> memref<!tpu.dma_semaphore, #tpu.memory_space<semaphore_mem>>
      %dma_start3A_266 = arith.constant 0 : i32
      %dma_start3A_267 = tpu.memref_slice %arg4[%add3A_257, %dma_start3A_266] : memref<819200x128xf32, #tpu.memory_space<hbm>> -> memref<40x128xf32, #tpu.memory_space<hbm>>
      %dma_start3A_268 = arith.constant 0 : i32
      %dma_start3A_269 = arith.constant 0 : i32
      %dma_start3A_270 = tpu.memref_slice %arg6[%rem3A_243, %dma_start3A_268, %dma_start3A_269] : memref<8x40x128xf32, #tpu.memory_space<vmem>> -> memref<1x40x128xf32, #tpu.memory_space<vmem>>
      %dma_start3A_271 = tpu.memref_squeeze %dma_start3A_270 : memref<1x40x128xf32, #tpu.memory_space<vmem>> -> memref<40x128xf32, #tpu.memory_space<vmem>>
      tpu.enqueue_dma source(%dma_start3A_271 : memref<40x128xf32, #tpu.memory_space<vmem>>) target(%dma_start3A_267 : memref<40x128xf32, #tpu.memory_space<hbm>>) target_semaphore(%dma_start3A_265 : memref<!tpu.dma_semaphore, #tpu.memory_space<semaphore_mem>>)
      %add3A_272 = arith.constant 8 : i32
      %add3A_273 = arith.addi %scan3A_241, %add3A_272 : i32
      %lt3A = arith.constant 640 : i32
      %lt3A_274 = arith.cmpi slt, %add3A_273, %lt3A : i32
      %convert_element_type3A_275 = arith.extui %lt3A_274 : i1 to i32
      %cond3A_276 = arith.constant 0 : i32
      %cond3A_277 = arith.cmpi ne, %convert_element_type3A_275, %cond3A_276 : i32
      scf.if %cond3A_277 {
        %dma_wait3A_279 = arith.constant 0 : i32
        %dma_wait3A_280 = arith.constant 0 : i32
        %dma_wait3A_281 = tpu.memref_slice %arg6[%rem3A_243, %dma_wait3A_279, %dma_wait3A_280] : memref<8x40x128xf32, #tpu.memory_space<vmem>> -> memref<1x40x128xf32, #tpu.memory_space<vmem>>
        %dma_wait3A_282 = tpu.memref_squeeze %dma_wait3A_281 : memref<1x40x128xf32, #tpu.memory_space<vmem>> -> memref<40x128xf32, #tpu.memory_space<vmem>>
        %dma_wait3A_283 = arith.constant 0 : i32
        %dma_wait3A_284 = tpu.memref_slice %arg4[%mul3A_2, %dma_wait3A_283] : memref<819200x128xf32, #tpu.memory_space<hbm>> -> memref<40x128xf32, #tpu.memory_space<hbm>>
        %dma_wait3A_285 = tpu.memref_slice %arg9[%rem3A_243] : memref<8x!tpu.dma_semaphore, #tpu.memory_space<semaphore_mem>> -> memref<1x!tpu.dma_semaphore, #tpu.memory_space<semaphore_mem>>
        %dma_wait3A_286 = tpu.memref_squeeze %dma_wait3A_285 : memref<1x!tpu.dma_semaphore, #tpu.memory_space<semaphore_mem>> -> memref<!tpu.dma_semaphore, #tpu.memory_space<semaphore_mem>>
        %dma_wait3A_287 = arith.constant 0 : i32
        %dma_wait3A_288 = tpu.memref_slice %arg4[%mul3A_2, %dma_wait3A_287] : memref<819200x128xf32, #tpu.memory_space<hbm>> -> memref<40x128xf32, #tpu.memory_space<hbm>>
        %dma_wait3A_289 = arith.constant 0 : i32
        %dma_wait3A_290 = arith.constant 0 : i32
        %dma_wait3A_291 = tpu.memref_slice %arg6[%rem3A_243, %dma_wait3A_289, %dma_wait3A_290] : memref<8x40x128xf32, #tpu.memory_space<vmem>> -> memref<1x40x128xf32, #tpu.memory_space<vmem>>
        %dma_wait3A_292 = tpu.memref_squeeze %dma_wait3A_291 : memref<1x40x128xf32, #tpu.memory_space<vmem>> -> memref<40x128xf32, #tpu.memory_space<vmem>>
        tpu.wait_dma2 semaphore(%dma_wait3A_286 : memref<!tpu.dma_semaphore, #tpu.memory_space<semaphore_mem>>) src(%dma_wait3A_292 : memref<40x128xf32, #tpu.memory_space<vmem>>) dst(%dma_wait3A_288 : memref<40x128xf32, #tpu.memory_space<hbm>>)
        %mul3A_293 = arith.constant 40 : i32
        %mul3A_294 = arith.muli %add3A_273, %mul3A_293 : i32
        %dma_start3A_295 = arith.constant 0 : i32
        %dma_start3A_296 = arith.constant 0 : i32
        %dma_start3A_297 = tpu.memref_slice %arg6[%rem3A_243, %dma_start3A_295, %dma_start3A_296] : memref<8x40x128xf32, #tpu.memory_space<vmem>> -> memref<1x40x128xf32, #tpu.memory_space<vmem>>
        %dma_start3A_298 = tpu.memref_squeeze %dma_start3A_297 : memref<1x40x128xf32, #tpu.memory_space<vmem>> -> memref<40x128xf32, #tpu.memory_space<vmem>>
        %dma_start3A_299 = tpu.memref_slice %arg7[%mul3A_294] : memref<25600xi32, #tpu.memory_space<vmem>> -> memref<40xi32, #tpu.memory_space<vmem>>
        %dma_start3A_300 = arith.constant 0 : i32
        %dma_start3A_301 = arith.constant 0 : i32
        %dma_start3A_302 = tpu.memref_slice %arg5[%dma_start3A_300, %dma_start3A_301] : memref<5x128xf32, #tpu.memory_space<vmem_shared>> -> memref<5x128xf32, #tpu.memory_space<vmem_shared>>
        %dma_start3A_303 = tpu.memref_slice %arg8[%rem3A_243] : memref<8x!tpu.dma_semaphore, #tpu.memory_space<semaphore_mem>> -> memref<1x!tpu.dma_semaphore, #tpu.memory_space<semaphore_mem>>
        %dma_start3A_304 = tpu.memref_squeeze %dma_start3A_303 : memref<1x!tpu.dma_semaphore, #tpu.memory_space<semaphore_mem>> -> memref<!tpu.dma_semaphore, #tpu.memory_space<semaphore_mem>>
        tpu.enqueue_indirect_dma source(%dma_start3A_302 : memref<5x128xf32, #tpu.memory_space<vmem_shared>>) target(%dma_start3A_298 : memref<40x128xf32, #tpu.memory_space<vmem>>) offsets(%dma_start3A_299 : memref<40xi32, #tpu.memory_space<vmem>>) semaphore(%dma_start3A_304 : memref<!tpu.dma_semaphore, #tpu.memory_space<semaphore_mem>>)
      } else {
      }
      %scan3A_278 = arith.constant 0 : i32
      scf.yield %scan3A_278 : i32
    }
    %scan3A_113 = arith.constant 640 : i32
    %dma_wait3A = arith.constant 0 : i32
    %dma_wait3A_114 = arith.constant 0 : i32
    %dma_wait3A_115 = arith.constant 0 : i32
    %dma_wait3A_116 = arith.constant 0 : i32
    %dma_wait3A_117 = tpu.memref_slice %arg6[%dma_wait3A, %dma_wait3A_115, %dma_wait3A_116] : memref<8x40x128xf32, #tpu.memory_space<vmem>> -> memref<1x40x128xf32, #tpu.memory_space<vmem>>
    %dma_wait3A_118 = tpu.memref_squeeze %dma_wait3A_117 : memref<1x40x128xf32, #tpu.memory_space<vmem>> -> memref<40x128xf32, #tpu.memory_space<vmem>>
    %dma_wait3A_119 = arith.constant 0 : i32
    %dma_wait3A_120 = tpu.memref_slice %arg4[%mul3A_2, %dma_wait3A_119] : memref<819200x128xf32, #tpu.memory_space<hbm>> -> memref<40x128xf32, #tpu.memory_space<hbm>>
    %dma_wait3A_121 = tpu.memref_slice %arg9[%dma_wait3A_114] : memref<8x!tpu.dma_semaphore, #tpu.memory_space<semaphore_mem>> -> memref<1x!tpu.dma_semaphore, #tpu.memory_space<semaphore_mem>>
    %dma_wait3A_122 = tpu.memref_squeeze %dma_wait3A_121 : memref<1x!tpu.dma_semaphore, #tpu.memory_space<semaphore_mem>> -> memref<!tpu.dma_semaphore, #tpu.memory_space<semaphore_mem>>
    %dma_wait3A_123 = arith.constant 0 : i32
    %dma_wait3A_124 = tpu.memref_slice %arg4[%mul3A_2, %dma_wait3A_123] : memref<819200x128xf32, #tpu.memory_space<hbm>> -> memref<40x128xf32, #tpu.memory_space<hbm>>
    %dma_wait3A_125 = arith.constant 0 : i32
    %dma_wait3A_126 = arith.constant 0 : i32
    %dma_wait3A_127 = tpu.memref_slice %arg6[%dma_wait3A, %dma_wait3A_125, %dma_wait3A_126] : memref<8x40x128xf32, #tpu.memory_space<vmem>> -> memref<1x40x128xf32, #tpu.memory_space<vmem>>
    %dma_wait3A_128 = tpu.memref_squeeze %dma_wait3A_127 : memref<1x40x128xf32, #tpu.memory_space<vmem>> -> memref<40x128xf32, #tpu.memory_space<vmem>>
    tpu.wait_dma2 semaphore(%dma_wait3A_122 : memref<!tpu.dma_semaphore, #tpu.memory_space<semaphore_mem>>) src(%dma_wait3A_128 : memref<40x128xf32, #tpu.memory_space<vmem>>) dst(%dma_wait3A_124 : memref<40x128xf32, #tpu.memory_space<hbm>>)
    %dma_wait3A_129 = arith.constant 1 : i32
    %dma_wait3A_130 = arith.constant 1 : i32
    %dma_wait3A_131 = arith.constant 0 : i32
    %dma_wait3A_132 = arith.constant 0 : i32
    %dma_wait3A_133 = tpu.memref_slice %arg6[%dma_wait3A_129, %dma_wait3A_131, %dma_wait3A_132] : memref<8x40x128xf32, #tpu.memory_space<vmem>> -> memref<1x40x128xf32, #tpu.memory_space<vmem>>
    %dma_wait3A_134 = tpu.memref_squeeze %dma_wait3A_133 : memref<1x40x128xf32, #tpu.memory_space<vmem>> -> memref<40x128xf32, #tpu.memory_space<vmem>>
    %dma_wait3A_135 = arith.constant 0 : i32
    %dma_wait3A_136 = tpu.memref_slice %arg4[%mul3A_2, %dma_wait3A_135] : memref<819200x128xf32, #tpu.memory_space<hbm>> -> memref<40x128xf32, #tpu.memory_space<hbm>>
    %dma_wait3A_137 = tpu.memref_slice %arg9[%dma_wait3A_130] : memref<8x!tpu.dma_semaphore, #tpu.memory_space<semaphore_mem>> -> memref<1x!tpu.dma_semaphore, #tpu.memory_space<semaphore_mem>>
    %dma_wait3A_138 = tpu.memref_squeeze %dma_wait3A_137 : memref<1x!tpu.dma_semaphore, #tpu.memory_space<semaphore_mem>> -> memref<!tpu.dma_semaphore, #tpu.memory_space<semaphore_mem>>
    %dma_wait3A_139 = arith.constant 0 : i32
    %dma_wait3A_140 = tpu.memref_slice %arg4[%mul3A_2, %dma_wait3A_139] : memref<819200x128xf32, #tpu.memory_space<hbm>> -> memref<40x128xf32, #tpu.memory_space<hbm>>
    %dma_wait3A_141 = arith.constant 0 : i32
    %dma_wait3A_142 = arith.constant 0 : i32
    %dma_wait3A_143 = tpu.memref_slice %arg6[%dma_wait3A_129, %dma_wait3A_141, %dma_wait3A_142] : memref<8x40x128xf32, #tpu.memory_space<vmem>> -> memref<1x40x128xf32, #tpu.memory_space<vmem>>
    %dma_wait3A_144 = tpu.memref_squeeze %dma_wait3A_143 : memref<1x40x128xf32, #tpu.memory_space<vmem>> -> memref<40x128xf32, #tpu.memory_space<vmem>>
    tpu.wait_dma2 semaphore(%dma_wait3A_138 : memref<!tpu.dma_semaphore, #tpu.memory_space<semaphore_mem>>) src(%dma_wait3A_144 : memref<40x128xf32, #tpu.memory_space<vmem>>) dst(%dma_wait3A_140 : memref<40x128xf32, #tpu.memory_space<hbm>>)
    %dma_wait3A_145 = arith.constant 2 : i32
    %dma_wait3A_146 = arith.constant 2 : i32
    %dma_wait3A_147 = arith.constant 0 : i32
    %dma_wait3A_148 = arith.constant 0 : i32
    %dma_wait3A_149 = tpu.memref_slice %arg6[%dma_wait3A_145, %dma_wait3A_147, %dma_wait3A_148] : memref<8x40x128xf32, #tpu.memory_space<vmem>> -> memref<1x40x128xf32, #tpu.memory_space<vmem>>
    %dma_wait3A_150 = tpu.memref_squeeze %dma_wait3A_149 : memref<1x40x128xf32, #tpu.memory_space<vmem>> -> memref<40x128xf32, #tpu.memory_space<vmem>>
    %dma_wait3A_151 = arith.constant 0 : i32
    %dma_wait3A_152 = tpu.memref_slice %arg4[%mul3A_2, %dma_wait3A_151] : memref<819200x128xf32, #tpu.memory_space<hbm>> -> memref<40x128xf32, #tpu.memory_space<hbm>>
    %dma_wait3A_153 = tpu.memref_slice %arg9[%dma_wait3A_146] : memref<8x!tpu.dma_semaphore, #tpu.memory_space<semaphore_mem>> -> memref<1x!tpu.dma_semaphore, #tpu.memory_space<semaphore_mem>>
    %dma_wait3A_154 = tpu.memref_squeeze %dma_wait3A_153 : memref<1x!tpu.dma_semaphore, #tpu.memory_space<semaphore_mem>> -> memref<!tpu.dma_semaphore, #tpu.memory_space<semaphore_mem>>
    %dma_wait3A_155 = arith.constant 0 : i32
    %dma_wait3A_156 = tpu.memref_slice %arg4[%mul3A_2, %dma_wait3A_155] : memref<819200x128xf32, #tpu.memory_space<hbm>> -> memref<40x128xf32, #tpu.memory_space<hbm>>
    %dma_wait3A_157 = arith.constant 0 : i32
    %dma_wait3A_158 = arith.constant 0 : i32
    %dma_wait3A_159 = tpu.memref_slice %arg6[%dma_wait3A_145, %dma_wait3A_157, %dma_wait3A_158] : memref<8x40x128xf32, #tpu.memory_space<vmem>> -> memref<1x40x128xf32, #tpu.memory_space<vmem>>
    %dma_wait3A_160 = tpu.memref_squeeze %dma_wait3A_159 : memref<1x40x128xf32, #tpu.memory_space<vmem>> -> memref<40x128xf32, #tpu.memory_space<vmem>>
    tpu.wait_dma2 semaphore(%dma_wait3A_154 : memref<!tpu.dma_semaphore, #tpu.memory_space<semaphore_mem>>) src(%dma_wait3A_160 : memref<40x128xf32, #tpu.memory_space<vmem>>) dst(%dma_wait3A_156 : memref<40x128xf32, #tpu.memory_space<hbm>>)
    %dma_wait3A_161 = arith.constant 3 : i32
    %dma_wait3A_162 = arith.constant 3 : i32
    %dma_wait3A_163 = arith.constant 0 : i32
    %dma_wait3A_164 = arith.constant 0 : i32
    %dma_wait3A_165 = tpu.memref_slice %arg6[%dma_wait3A_161, %dma_wait3A_163, %dma_wait3A_164] : memref<8x40x128xf32, #tpu.memory_space<vmem>> -> memref<1x40x128xf32, #tpu.memory_space<vmem>>
    %dma_wait3A_166 = tpu.memref_squeeze %dma_wait3A_165 : memref<1x40x128xf32, #tpu.memory_space<vmem>> -> memref<40x128xf32, #tpu.memory_space<vmem>>
    %dma_wait3A_167 = arith.constant 0 : i32
    %dma_wait3A_168 = tpu.memref_slice %arg4[%mul3A_2, %dma_wait3A_167] : memref<819200x128xf32, #tpu.memory_space<hbm>> -> memref<40x128xf32, #tpu.memory_space<hbm>>
    %dma_wait3A_169 = tpu.memref_slice %arg9[%dma_wait3A_162] : memref<8x!tpu.dma_semaphore, #tpu.memory_space<semaphore_mem>> -> memref<1x!tpu.dma_semaphore, #tpu.memory_space<semaphore_mem>>
    %dma_wait3A_170 = tpu.memref_squeeze %dma_wait3A_169 : memref<1x!tpu.dma_semaphore, #tpu.memory_space<semaphore_mem>> -> memref<!tpu.dma_semaphore, #tpu.memory_space<semaphore_mem>>
    %dma_wait3A_171 = arith.constant 0 : i32
    %dma_wait3A_172 = tpu.memref_slice %arg4[%mul3A_2, %dma_wait3A_171] : memref<819200x128xf32, #tpu.memory_space<hbm>> -> memref<40x128xf32, #tpu.memory_space<hbm>>
    %dma_wait3A_173 = arith.constant 0 : i32
    %dma_wait3A_174 = arith.constant 0 : i32
    %dma_wait3A_175 = tpu.memref_slice %arg6[%dma_wait3A_161, %dma_wait3A_173, %dma_wait3A_174] : memref<8x40x128xf32, #tpu.memory_space<vmem>> -> memref<1x40x128xf32, #tpu.memory_space<vmem>>
    %dma_wait3A_176 = tpu.memref_squeeze %dma_wait3A_175 : memref<1x40x128xf32, #tpu.memory_space<vmem>> -> memref<40x128xf32, #tpu.memory_space<vmem>>
    tpu.wait_dma2 semaphore(%dma_wait3A_170 : memref<!tpu.dma_semaphore, #tpu.memory_space<semaphore_mem>>) src(%dma_wait3A_176 : memref<40x128xf32, #tpu.memory_space<vmem>>) dst(%dma_wait3A_172 : memref<40x128xf32, #tpu.memory_space<hbm>>)
    %dma_wait3A_177 = arith.constant 4 : i32
    %dma_wait3A_178 = arith.constant 4 : i32
    %dma_wait3A_179 = arith.constant 0 : i32
    %dma_wait3A_180 = arith.constant 0 : i32
    %dma_wait3A_181 = tpu.memref_slice %arg6[%dma_wait3A_177, %dma_wait3A_179, %dma_wait3A_180] : memref<8x40x128xf32, #tpu.memory_space<vmem>> -> memref<1x40x128xf32, #tpu.memory_space<vmem>>
    %dma_wait3A_182 = tpu.memref_squeeze %dma_wait3A_181 : memref<1x40x128xf32, #tpu.memory_space<vmem>> -> memref<40x128xf32, #tpu.memory_space<vmem>>
    %dma_wait3A_183 = arith.constant 0 : i32
    %dma_wait3A_184 = tpu.memref_slice %arg4[%mul3A_2, %dma_wait3A_183] : memref<819200x128xf32, #tpu.memory_space<hbm>> -> memref<40x128xf32, #tpu.memory_space<hbm>>
    %dma_wait3A_185 = tpu.memref_slice %arg9[%dma_wait3A_178] : memref<8x!tpu.dma_semaphore, #tpu.memory_space<semaphore_mem>> -> memref<1x!tpu.dma_semaphore, #tpu.memory_space<semaphore_mem>>
    %dma_wait3A_186 = tpu.memref_squeeze %dma_wait3A_185 : memref<1x!tpu.dma_semaphore, #tpu.memory_space<semaphore_mem>> -> memref<!tpu.dma_semaphore, #tpu.memory_space<semaphore_mem>>
    %dma_wait3A_187 = arith.constant 0 : i32
    %dma_wait3A_188 = tpu.memref_slice %arg4[%mul3A_2, %dma_wait3A_187] : memref<819200x128xf32, #tpu.memory_space<hbm>> -> memref<40x128xf32, #tpu.memory_space<hbm>>
    %dma_wait3A_189 = arith.constant 0 : i32
    %dma_wait3A_190 = arith.constant 0 : i32
    %dma_wait3A_191 = tpu.memref_slice %arg6[%dma_wait3A_177, %dma_wait3A_189, %dma_wait3A_190] : memref<8x40x128xf32, #tpu.memory_space<vmem>> -> memref<1x40x128xf32, #tpu.memory_space<vmem>>
    %dma_wait3A_192 = tpu.memref_squeeze %dma_wait3A_191 : memref<1x40x128xf32, #tpu.memory_space<vmem>> -> memref<40x128xf32, #tpu.memory_space<vmem>>
    tpu.wait_dma2 semaphore(%dma_wait3A_186 : memref<!tpu.dma_semaphore, #tpu.memory_space<semaphore_mem>>) src(%dma_wait3A_192 : memref<40x128xf32, #tpu.memory_space<vmem>>) dst(%dma_wait3A_188 : memref<40x128xf32, #tpu.memory_space<hbm>>)
    %dma_wait3A_193 = arith.constant 5 : i32
    %dma_wait3A_194 = arith.constant 5 : i32
    %dma_wait3A_195 = arith.constant 0 : i32
    %dma_wait3A_196 = arith.constant 0 : i32
    %dma_wait3A_197 = tpu.memref_slice %arg6[%dma_wait3A_193, %dma_wait3A_195, %dma_wait3A_196] : memref<8x40x128xf32, #tpu.memory_space<vmem>> -> memref<1x40x128xf32, #tpu.memory_space<vmem>>
    %dma_wait3A_198 = tpu.memref_squeeze %dma_wait3A_197 : memref<1x40x128xf32, #tpu.memory_space<vmem>> -> memref<40x128xf32, #tpu.memory_space<vmem>>
    %dma_wait3A_199 = arith.constant 0 : i32
    %dma_wait3A_200 = tpu.memref_slice %arg4[%mul3A_2, %dma_wait3A_199] : memref<819200x128xf32, #tpu.memory_space<hbm>> -> memref<40x128xf32, #tpu.memory_space<hbm>>
    %dma_wait3A_201 = tpu.memref_slice %arg9[%dma_wait3A_194] : memref<8x!tpu.dma_semaphore, #tpu.memory_space<semaphore_mem>> -> memref<1x!tpu.dma_semaphore, #tpu.memory_space<semaphore_mem>>
    %dma_wait3A_202 = tpu.memref_squeeze %dma_wait3A_201 : memref<1x!tpu.dma_semaphore, #tpu.memory_space<semaphore_mem>> -> memref<!tpu.dma_semaphore, #tpu.memory_space<semaphore_mem>>
    %dma_wait3A_203 = arith.constant 0 : i32
    %dma_wait3A_204 = tpu.memref_slice %arg4[%mul3A_2, %dma_wait3A_203] : memref<819200x128xf32, #tpu.memory_space<hbm>> -> memref<40x128xf32, #tpu.memory_space<hbm>>
    %dma_wait3A_205 = arith.constant 0 : i32
    %dma_wait3A_206 = arith.constant 0 : i32
    %dma_wait3A_207 = tpu.memref_slice %arg6[%dma_wait3A_193, %dma_wait3A_205, %dma_wait3A_206] : memref<8x40x128xf32, #tpu.memory_space<vmem>> -> memref<1x40x128xf32, #tpu.memory_space<vmem>>
    %dma_wait3A_208 = tpu.memref_squeeze %dma_wait3A_207 : memref<1x40x128xf32, #tpu.memory_space<vmem>> -> memref<40x128xf32, #tpu.memory_space<vmem>>
    tpu.wait_dma2 semaphore(%dma_wait3A_202 : memref<!tpu.dma_semaphore, #tpu.memory_space<semaphore_mem>>) src(%dma_wait3A_208 : memref<40x128xf32, #tpu.memory_space<vmem>>) dst(%dma_wait3A_204 : memref<40x128xf32, #tpu.memory_space<hbm>>)
    %dma_wait3A_209 = arith.constant 6 : i32
    %dma_wait3A_210 = arith.constant 6 : i32
    %dma_wait3A_211 = arith.constant 0 : i32
    %dma_wait3A_212 = arith.constant 0 : i32
    %dma_wait3A_213 = tpu.memref_slice %arg6[%dma_wait3A_209, %dma_wait3A_211, %dma_wait3A_212] : memref<8x40x128xf32, #tpu.memory_space<vmem>> -> memref<1x40x128xf32, #tpu.memory_space<vmem>>
    %dma_wait3A_214 = tpu.memref_squeeze %dma_wait3A_213 : memref<1x40x128xf32, #tpu.memory_space<vmem>> -> memref<40x128xf32, #tpu.memory_space<vmem>>
    %dma_wait3A_215 = arith.constant 0 : i32
    %dma_wait3A_216 = tpu.memref_slice %arg4[%mul3A_2, %dma_wait3A_215] : memref<819200x128xf32, #tpu.memory_space<hbm>> -> memref<40x128xf32, #tpu.memory_space<hbm>>
    %dma_wait3A_217 = tpu.memref_slice %arg9[%dma_wait3A_210] : memref<8x!tpu.dma_semaphore, #tpu.memory_space<semaphore_mem>> -> memref<1x!tpu.dma_semaphore, #tpu.memory_space<semaphore_mem>>
    %dma_wait3A_218 = tpu.memref_squeeze %dma_wait3A_217 : memref<1x!tpu.dma_semaphore, #tpu.memory_space<semaphore_mem>> -> memref<!tpu.dma_semaphore, #tpu.memory_space<semaphore_mem>>
    %dma_wait3A_219 = arith.constant 0 : i32
    %dma_wait3A_220 = tpu.memref_slice %arg4[%mul3A_2, %dma_wait3A_219] : memref<819200x128xf32, #tpu.memory_space<hbm>> -> memref<40x128xf32, #tpu.memory_space<hbm>>
    %dma_wait3A_221 = arith.constant 0 : i32
    %dma_wait3A_222 = arith.constant 0 : i32
    %dma_wait3A_223 = tpu.memref_slice %arg6[%dma_wait3A_209, %dma_wait3A_221, %dma_wait3A_222] : memref<8x40x128xf32, #tpu.memory_space<vmem>> -> memref<1x40x128xf32, #tpu.memory_space<vmem>>
    %dma_wait3A_224 = tpu.memref_squeeze %dma_wait3A_223 : memref<1x40x128xf32, #tpu.memory_space<vmem>> -> memref<40x128xf32, #tpu.memory_space<vmem>>
    tpu.wait_dma2 semaphore(%dma_wait3A_218 : memref<!tpu.dma_semaphore, #tpu.memory_space<semaphore_mem>>) src(%dma_wait3A_224 : memref<40x128xf32, #tpu.memory_space<vmem>>) dst(%dma_wait3A_220 : memref<40x128xf32, #tpu.memory_space<hbm>>)
    %dma_wait3A_225 = arith.constant 7 : i32
    %dma_wait3A_226 = arith.constant 7 : i32
    %dma_wait3A_227 = arith.constant 0 : i32
    %dma_wait3A_228 = arith.constant 0 : i32
    %dma_wait3A_229 = tpu.memref_slice %arg6[%dma_wait3A_225, %dma_wait3A_227, %dma_wait3A_228] : memref<8x40x128xf32, #tpu.memory_space<vmem>> -> memref<1x40x128xf32, #tpu.memory_space<vmem>>
    %dma_wait3A_230 = tpu.memref_squeeze %dma_wait3A_229 : memref<1x40x128xf32, #tpu.memory_space<vmem>> -> memref<40x128xf32, #tpu.memory_space<vmem>>
    %dma_wait3A_231 = arith.constant 0 : i32
    %dma_wait3A_232 = tpu.memref_slice %arg4[%mul3A_2, %dma_wait3A_231] : memref<819200x128xf32, #tpu.memory_space<hbm>> -> memref<40x128xf32, #tpu.memory_space<hbm>>
    %dma_wait3A_233 = tpu.memref_slice %arg9[%dma_wait3A_226] : memref<8x!tpu.dma_semaphore, #tpu.memory_space<semaphore_mem>> -> memref<1x!tpu.dma_semaphore, #tpu.memory_space<semaphore_mem>>
    %dma_wait3A_234 = tpu.memref_squeeze %dma_wait3A_233 : memref<1x!tpu.dma_semaphore, #tpu.memory_space<semaphore_mem>> -> memref<!tpu.dma_semaphore, #tpu.memory_space<semaphore_mem>>
    %dma_wait3A_235 = arith.constant 0 : i32
    %dma_wait3A_236 = tpu.memref_slice %arg4[%mul3A_2, %dma_wait3A_235] : memref<819200x128xf32, #tpu.memory_space<hbm>> -> memref<40x128xf32, #tpu.memory_space<hbm>>
    %dma_wait3A_237 = arith.constant 0 : i32
    %dma_wait3A_238 = arith.constant 0 : i32
    %dma_wait3A_239 = tpu.memref_slice %arg6[%dma_wait3A_225, %dma_wait3A_237, %dma_wait3A_238] : memref<8x40x128xf32, #tpu.memory_space<vmem>> -> memref<1x40x128xf32, #tpu.memory_space<vmem>>
    %dma_wait3A_240 = tpu.memref_squeeze %dma_wait3A_239 : memref<1x40x128xf32, #tpu.memory_space<vmem>> -> memref<40x128xf32, #tpu.memory_space<vmem>>
    tpu.wait_dma2 semaphore(%dma_wait3A_234 : memref<!tpu.dma_semaphore, #tpu.memory_space<semaphore_mem>>) src(%dma_wait3A_240 : memref<40x128xf32, #tpu.memory_space<vmem>>) dst(%dma_wait3A_236 : memref<40x128xf32, #tpu.memory_space<hbm>>)
    return
  }
}

module attributes {stable_mosaic.version = 14 : i64} {
  func.func @_fuse_table_body(%arg0: memref<5x128xf32, #tpu.memory_space<vmem>>, %arg1: memref<1x128xf32, #tpu.memory_space<vmem>>, %arg2: memref<5x128xf32, #tpu.memory_space<vmem>>) attributes {dimension_semantics = [], scalar_prefetch = 0 : i64, scratch_operands = 0 : i64, tpu.core_type = #tpu.core_type<tc>} {
    %get3A = arith.constant 0 : index
    %get3A_0 = arith.constant 0 : index
    %get3A_1 = vector.load %arg0[%get3A, %get3A_0] : memref<5x128xf32, #tpu.memory_space<vmem>>, vector<5x128xf32>
    %get3A_2 = arith.constant 0 : index
    %get3A_3 = arith.constant 0 : index
    %get3A_4 = vector.load %arg1[%get3A_2, %get3A_3] : memref<1x128xf32, #tpu.memory_space<vmem>>, vector<1x128xf32>
    %add3A = vector.broadcast %get3A_4 : vector<1x128xf32> to vector<5x128xf32>
    %add3A_5 = arith.addf %get3A_1, %add3A : vector<5x128xf32>
    %swap3A = arith.constant 0 : index
    %swap3A_6 = arith.constant 0 : index
    %swap3A_7 = vector.load %arg2[%swap3A, %swap3A_6] : memref<5x128xf32, #tpu.memory_space<vmem>>, vector<5x128xf32>
    tpu.vector_store %arg2[%swap3A, %swap3A_6], %add3A_5 {strides = array<i32>} : memref<5x128xf32, #tpu.memory_space<vmem>>, vector<5x128xf32>,
    return
  }
}

</mosaic_0001>

<sc_bundles>
// kernel: kernel.4.cloned.1.call-start
scs
__scs_entry_jumppad:
0x0: {  	(pc) =	sbr.rel $0x88, $3  }
0x1: {  	(tag) =	ssettag $0x0;
	lr =	simm.s32 $0x1  }
0x2: {  	[smem:$0x3F9E] =	sst lr;
	_ =	strace $0xD0000000  }
0x3: {  	_ = 	snop  }
0x4: {  	_ = 	snop  }
0x5: {  	_ = 	snop  }
0x6: {  	_ = 	snop  }
0x7: {  	_ = 	snop  }
__scs_overlays_trampoline_lowered:
0x8: {  	[smem:$0x3FAD] =	sst s0  }
0x9: {  	[smem:$0x3FAE] =	sst s1  }
0xa: {  	[smem:$0x3FAF] =	sst s2  }
0xb: {  	[smem:$0x3FB0] =	sst s3  }
0xc: {  	[smem:$0x3FB1] =	sst s4  }
0xd: {  	[smem:$0x3FB2] =	sst s5  }
0xe: {  	[smem:$0x3FB3] =	sst s6  }
0xf: {  	[smem:$0x3FB4] =	sst s7  }
0x10: {  	[smem:$0x3FB5] =	sst s8  }
0x11: {  	[smem:$0x3FB6] =	sst s9;
	s0 =	simm.s32 @!p0 $0x0  }
0x12: {  	s1 =	sld [smem:$0x3F9C];
	s0 =	simm.s32 @p0 $0x1  }
0x13: {  	[smem:$0x3FB7] =	sst s0;
	s0 =	simm.s32 @!p1 $0x0  }
0x14: {  	s2 =	sld [smem:$0x3F9B];
	s0 =	simm.s32 @p1 $0x1  }
0x15: {  	[smem:$0x3FB8] =	sst s0;
	s0 =	simm.s32 @!p2 $0x0  }
0x16: {  	s3 =	sld [smem:$0x3FDB];
	s0 =	simm.s32 @p2 $0x1  }
0x17: {  	s4 =	simm.s32 $0x1BF5;
	[smem:$0x3FBA] =	sst s0  }
0x18: {  	s0 =	sld [smem:$0x3F9D];
	_ =	swait.ge [sflag:s4], $0x0  }
0x19: {  	s7 =	sld [smem:$0x3F9E]  }
0x1a: {  	s8 =	sadd.s32 $0xFFFFE003, lr  }
0x1b: {  	s9 =	sadd.s32 $0xFFFFFEF7, lr;
	s5 =	simm.s32 $0xFFFFFFFF;
	p2 =	slt.u32 s8, $0xFFFFF086  }
0x1c: {  	p1 =	slt.u32 s9, $0xF7A;
	s5 =	simm.s32 @!p2 $0x0  }
0x1d: {  	s5 =	simm.s32 @p1 $0x1;
	p0 =	seq.s32 s7, s2  }
0x1e: {  	s7 =	smul.u32 @!p0 $0xF7A, s2;
	p2 =	seq.s32 @!p0 s5, $0x0  }
0x1f: {  	s9 =	smul.u32 $0xF7A, s1;
	s8 =	simm.s32 @!p0 $0x1BF5;
	p2 =	por !p2, p0  }
0x20: {  	[sflag:s8] =	ssyncset.s32 @!p0 $0xFFFFF086;
	s6 =	sadd.s32 @!p0 s3, s7;
	s7 =	simm.s32 @!p0 $0x108  }
0x21: {  	s3 =	sadd.s32 s3, s9;
	s6 =	sadd.s32 @!p0 $0x88, s6;
	s7 =	simm.s32 @p2 $0x1082  }
0x22: {  	[simem:s7], [sflag:s8] =	dma.local @!p0 [hbm:s6], $0xF7A  }
0x23: {  	s9 =	sor.u32 $0xD0000000, s2;
	s6 =	simm.s32 $0x108;
	_ =	swait.ge @!p0 [sflag:s8], $0x0  }
0x24: {  	s3 =	sadd.s32 $0x88, s3;
	s6 =	simm.s32 @!p1 $0x1082;
	[sflag:s4] =	ssyncset.s32 $0xFFFFF086  }
0x25: {  	[simem:s6], [sflag:s4] =	dma.local [hbm:s3], $0xF7A  }
0x26: {  	[smem:$0x3F9E] =	sst s1;
	(tag) =	ssettag s2;
	_ =	strace s9  }
0x27: {  	s1 =	sld [smem:$0x3FAE]  }
0x28: {  	s2 =	sld [smem:$0x3FAF]  }
0x29: {  	s4 =	sld [smem:$0x3FB1]  }
0x2a: {  	p0 =	seq.s32 s5, $0x0;
	s5 =	sld [smem:$0x3FB2]  }
0x2b: {  	s6 =	sld [smem:$0x3FB3]  }
0x2c: {  	s7 =	sld [smem:$0x3FB4]  }
0x2d: {  	s3 =	simm.s32 $0x108;
	s8 =	sld [smem:$0x3FB5]  }
0x2e: {  	s3 =	simm.s32 @!p0 $0x1082;
	s9 =	sld [smem:$0x3FB6]  }
0x2f: {  	lr =	sadd.s32 s0, s3;
	s0 =	sld [smem:$0x3FAD]  }
0x30: {  	s3 =	sld [smem:$0x3FB0]  }
0x31: {  	[smem:$0x3FB9] =	sst s10  }
0x32: {  	s10 =	sld [smem:$0x3FB7];
	_ =	sdelay $0x3  }
0x33: {  	p0 =	seq.s32 s10, $0x1;
	s10 =	sld [smem:$0x3FB9];
	_ =	sdelay $0x3  }
0x34: {  	[smem:$0x3FB9] =	sst s10  }
0x35: {  	s10 =	sld [smem:$0x3FB8];
	_ =	sdelay $0x3  }
0x36: {  	p1 =	seq.s32 s10, $0x1;
	s10 =	sld [smem:$0x3FB9];
	_ =	sdelay $0x3  }
0x37: {  	[smem:$0x3FB9] =	sst s10  }
0x38: {  	s10 =	sld [smem:$0x3FBA]  }
0x39: {  	_ = 	snop;
	(pc) =	sbr.ind lr, $3  }
0x3a: {  	_ = 	snop  }
0x3b: {  	_ = 	snop  }
0x3c: {  	p2 =	seq.s32 s10, $0x1;
	s10 =	sld [smem:$0x3FB9]  }
0x3d: {  	_ =	shalt  }
0x3e: {  	_ =	shalt  }
0x3f: {  	_ =	shalt  }
0x40: {  	_ =	shalt  }
0x41: {  	_ =	shalt  }
0x42: {  	_ =	shalt  }
0x43: {  	_ =	shalt  }
0x44: {  	_ =	shalt  }
0x45: {  	_ =	shalt  }
0x46: {  	_ =	shalt  }
0x47: {  	_ =	shalt  }
0x48: {  	_ =	shalt  }
0x49: {  	_ =	shalt  }
0x4a: {  	_ =	shalt  }
0x4b: {  	_ =	shalt  }
0x4c: {  	_ =	shalt  }
0x4d: {  	_ =	shalt  }
0x4e: {  	_ =	shalt  }
0x4f: {  	_ =	shalt  }
0x50: {  	_ =	shalt  }
0x51: {  	_ =	shalt  }
0x52: {  	_ =	shalt  }
0x53: {  	_ =	shalt  }
0x54: {  	_ =	shalt  }
0x55: {  	_ =	shalt  }
0x56: {  	_ =	shalt  }
0x57: {  	_ =	shalt  }
0x58: {  	_ =	shalt  }
0x59: {  	_ =	shalt  }
0x5a: {  	_ =	shalt  }
0x5b: {  	_ =	shalt  }
0x5c: {  	_ =	shalt  }
0x5d: {  	_ =	shalt  }
0x5e: {  	_ =	shalt  }
0x5f: {  	_ =	shalt  }
0x60: {  	_ =	shalt  }
0x61: {  	_ =	shalt  }
0x62: {  	_ =	shalt  }
0x63: {  	_ =	shalt  }
0x64: {  	_ =	shalt  }
0x65: {  	_ =	shalt  }
0x66: {  	_ =	shalt  }
0x67: {  	_ =	shalt  }
0x68: {  	_ =	shalt  }
0x69: {  	_ =	shalt  }
0x6a: {  	_ =	shalt  }
0x6b: {  	_ =	shalt  }
0x6c: {  	_ =	shalt  }
0x6d: {  	_ =	shalt  }
0x6e: {  	_ =	shalt  }
0x6f: {  	_ =	shalt  }
0x70: {  	_ =	shalt  }
0x71: {  	_ =	shalt  }
0x72: {  	_ =	shalt  }
0x73: {  	_ =	shalt  }
0x74: {  	_ =	shalt  }
0x75: {  	_ =	shalt  }
0x76: {  	_ =	shalt  }
0x77: {  	_ =	shalt  }
0x78: {  	_ =	shalt  }
0x79: {  	_ =	shalt  }
0x7a: {  	_ =	shalt  }
0x7b: {  	_ =	shalt  }
0x7c: {  	_ =	shalt  }
0x7d: {  	_ =	shalt  }
0x7e: {  	_ =	shalt  }
0x7f: {  	_ =	shalt  }
0x80: {  	_ =	shalt  }
0x81: {  	_ =	shalt  }
0x82: {  	_ =	shalt  }
0x83: {  	_ =	shalt  }
0x84: {  	_ =	shalt  }
0x85: {  	_ =	shalt  }
0x86: {  	_ =	shalt  }
0x87: {  	_ =	shalt  }
.Lfunc_end0:
.L_simem_size_0:
called_computation_lowered:
.L_overlay_start_0:
0x88: {  	s2 =	sld [smem:$0x3FD9]  }
0x89: {  	s3 =	sld [smem:$0x3FFE];
	_ =	sdelay $0x1  }
0x8a: {  	s1 =	srdreg.scid  }
0x8b: {  	s0 =	sand.u32 $0x1, s1  }
0x8c: {  	s17 =	sshll.u32 s0, $0xA;
	s2 =	sadd.s32 s3, s2  }
0x8d: {  	s2 =	sadd.s32 s2, s17  }
0x8e: {  	[smem:$0x3FC5] =	sst s2  }
0x8f: {  	_ = 	snop  }
0x90: {  	s2 =	sld [smem:$0x3FD0];
	(tm) =	ssettm $0x1  }
0x91: {  	s18 =	sld [smem:$0x3FFB];
	_ =	sdelay $0x3  }
0x92: {  	_ =	strace s18  }
0x93: {  	s3 =	sld [smem:$0x3FFC];
	_ =	sdelay $0x3  }
0x94: {  	_ =	strace s3  }
0x95: {  	s3 =	sld [smem:$0x3FFD];
	_ =	sdelay $0x3  }
0x96: {  	_ =	strace s3  }
0x97: {  	_ =	strace $0x8FFFFFFF  }
0x98: {  	s19 =	sld [smem:$0x3FDB];
	_ =	sdelay $0x1  }
0x99: {  	s4 =	simm.s32 $_scs_section_size  }
0x9a: {  	s5 =	simm.s32 $_size__tile_overlayer_lowered;
	s6 =	simm.s32 $_tile_overlayer_lowered  }
0x9b: {  	s22 =	simm.s32 $0x1BFF;
	s21 =	sshll.u32 s6, $0x1;
	s3 =	sadd.s32 s4, s19  }
0x9c: {  	s7 =	simm.s32 $0x0;
	s20 =	sshll.u32 s5, $0x1;
	s5 =	sadd.s32 s21, s3  }
0x9d: {  	[timem:s7], [sflag:s22] =	dma.local [hbm:s5], s20  }
0x9e: {  	_ =	swait.ge [sflag:s22], s20  }
0x9f: {  	s4 =	ssub.s32 $0x0, s20;
	[sflag:s22] =	ssyncset.done $0x0  }
0xa0: {  	[sflag:s22] =	ssyncadd.s32 s4;
	_ =	sdelay $0x1  }
0xa1: {  	s23 =	simm.s32 $0x1B8B  }
0xa2: {  	_ =	swait.ge [sflag:s23], $0x1  }
0xa3: {  	[sflag:s23] =	ssyncset.done $0x0  }
0xa4: {  	s25 =	simm.s32 $0x1B8E;
	s24 =	sld [smem:$0x3FFE];
	[sflag:s23] =	ssyncadd.s32 $0xFFFFFFFF  }
0xa5: {  	s26 =	simm.s32 $execute0_lowered;
	[smem:$0x3FD2] =	sst s25  }
0xa6: {  	s5 =	sshll.u32 s26, $0x1;
	_ =	strace $0x80000046;
	[dreg:$0x1] =	wrdreg $0xFFFFFFFF  }
0xa7: {  	s28 =	simm.s32 $_size_execute0_lowered;
	s3 =	sadd.s32 s3, s5;
	[dreg:$0x0] =	wrdreg $0x0  }
0xa8: {  	s5 =	sshll.u32 s28, $0x1;
	[dreg:$0x2] =	wrdreg s3  }
0xa9: {  	[dreg:$0x3] =	wrdreg s5  }
0xaa: {  	[dreg:$0x4] =	wrdreg $0xC0  }
0xab: {  	_ =	task [dreg:s7], $0x5FFFF  }
0xac: {  	[dreg:$0x1] =	wrdreg $0xFFFFFFFF  }
0xad: {  	[dreg:$0x0] =	wrdreg $0x60  }
0xae: {  	[dreg:$0x2] =	wrdreg s24  }
0xaf: {  	[dreg:$0x3] =	wrdreg s2  }
0xb0: {  	[dreg:$0x4] =	wrdreg $0x0  }
0xb1: {  	[dreg:$0x5] =	wrdreg $0x9  }
0xb2: {  	_ =	task.clear_ibuf [dreg:s7], $0x6FFFF;
	_ =	strace $0x90000046  }
0xb3: {  	s29 =	simm.s32 $0x9;
	_ =	strace $0x80000048  }
0xb4: {  	_ =	swait.ge [sflag:s29], $0x1  }
0xb5: {  	[sflag:s29] =	ssyncadd.s32 $0xFFFFFFFF  }
0xb6: {  	_ =	strace $0x90000048  }
0xb7: {  	_ =	sfence  }
0xb8: {  	s30 =	sld [smem:$0x0];
	_ =	sdelay $0x2  }
0xb9: {  	s31 =	sshll.u32 s1, $0xD;
	s1 =	sshrl.u32 s1, $0x2  }
0xba: {  	s3 =	sand.u32 $0x4000, s31;
	s1 =	sadd.s32 s1, s30  }
0xbb: {  	s0 =	sor.u32 s3, s0;
	s1 =	sshll.u32 s1, $0x11  }
0xbc: {  	s0 =	sor.u32 s1, s0  }
0xbd: {  	s0 =	sadd.s32 $0x8F2B, s0  }
0xbe: {  	[sflag:s0] =	ssyncadd.remote.s32 $0x1  }
0xbf: {  	_ =	sfence.sel $0xFFFF  }
0xc0: {  	[dreg:$0x0] =	wrdreg $0xFFFFFFFF;
	(pc) =	sbr.abs _section_cstart, $3  }
0xc1: {  	[dreg:$0x1] =	wrdreg $0xFFFFFFFF  }
0xc2: {  	_ =	task.clear_ibuf [dreg:s7], $0x2FFFF;
	_ =	strace $0x9FFFFFFF  }
0xc3: {  	(tm) =	ssettm $0x7FFFFFFF  }
tec
execute0_lowered:
.L_overlay_start_1:
0x0: {  	(tag) =	ssettag $0x1  }
0x1: {  	s0 =	rddreg [dreg:$0x0]  }
0x2: {  	s5 =	rddreg [dreg:$0x1];
	s2 =	srdreg.scid  }
0x3: {  	s7 =	stileid.u32;
	s1 =	rddreg [dreg:$0x2];
	s24 =	simm.s32 $0x8C28  }
0x4: {  	s28 =	simm.s32 $0xB;
	s29 =	simm.s32 $0xC;
	s30 =	simm.s32 $0xD  }
0x5: {  	s31 =	simm.s32 $0xE;
	s11 =	simm.s32 $0x10;
	s12 =	simm.s32 $0x0  }
0x6: {  	s4 =	sand.u32 $0x1, s2;
	s3 =	sshll.u32 s7, $0x1;
	s2 =	simm.s32 $0x0  }
0x7: {  	s9 =	smul.u32 $0xC8000, s7;
	p0 =	sne.s32 s7, $0x0;
	s3 =	sor.u32 s4, s3  }
0x8: {  	[smem:$0x7FF] =	sst s2;
	s8 =	ssub.s32 $0x2, s4;
	s6 =	smul.u32 $0x6400, s3  }
0x9: {  	s10 =	smul.u32 $0x64000, s4;
	s7 =	sshrl.u32 @!p0 s1, $0x3;
	_ =	strace $0x80000047  }
0xa: {  	s3 =	sadd.s32 $0x19A00, s0;
	s25 =	sshrl.u32 s8, $0x1;
	s6 =	sshrl.u32 s6, $0x3  }
0xb: {  	s26 =	sadd.s32 s9, s5;
	s9 =	simm.s32 $0x11;
	s0 =	sadd.s32 s6, s0  }
0xc: {  	s6 =	ssub.s32 s8, s25;
	s8 =	simm.s32 $0xA028;
	s25 =	simm.s32 $0x9  }
0xd: {  	s4 =	sadd.s32 $0xA00, s0;
	s5 =	smax.u32 s6, $0x1;
	s6 =	sadd.s32 s10, s26  }
0xe: {  	s10 =	simm.s32 $0x28;
	s26 =	simm.s32 $0xA;
	s0 =	simm.s32 $0xF  }
.LBB2_1:
0xf: {  	s13 =	simm.s32 @!p0 $0x1C11  }
0x10: {  	[spmem:s7], [sflag:s13] =	dma.local @!p0 [hbm:s3], $0x50  }
0x11: {  	s13 =	simm.s32 @!p0 $0x11  }
0x12: {  	_ =	swait.ge @!p0 [sflag:s13], $0x50  }
0x13: {  	[sflag:s13] =	ssyncset.done @!p0 $0x0  }
0x14: {  	[sflag:s13] =	ssyncadd.s32 @!p0 $0xFFFFFFB0  }
0x15: {  	[bflag:$0x0] =	sbarrier.arrive $0xFFFF  }
0x16: {  	[tilespmem:s8], [sflag:$0x11] =	stream.linear.gather [hbm4b:s4+s2], $0x6400, $0x38;
	[tilespmem:$0x10428] =	vst v63  }
0x17: {  	_ =	swait.ge [sflag:s9], $0x6400  }
0x18: {  	[sflag:s9] =	ssyncset.done $0x0  }
0x19: {  	[sflag:s9] =	ssyncadd.s32 $0xFFFF9C00  }
0x1a: {  	[tilespmem:s10], [sflag:$0x1] =	stream.indirect.gather [spmem:s1], $0x80, s8, s10, $0xb8;
	[tilespmem:$0x10428] =	vst v63  }
0x1b: {  	s19 =	simm.s32 $0xA050;
	s14 =	simm.s32 $0x1428  }
0x1c: {  	[tilespmem:s14], [sflag:$0x2] =	stream.indirect.gather [spmem:s1], $0x80, s19, s10, $0xb8;
	[tilespmem:$0x10428] =	vst v63  }
0x1d: {  	s20 =	simm.s32 $0xA078;
	s21 =	simm.s32 $0x2828  }
0x1e: {  	[tilespmem:s21], [sflag:$0x3] =	stream.indirect.gather [spmem:s1], $0x80, s20, s10, $0xb8;
	[tilespmem:$0x10428] =	vst v63  }
0x1f: {  	s22 =	simm.s32 $0xA0A0;
	s23 =	simm.s32 $0x3C28  }
0x20: {  	[tilespmem:s23], [sflag:$0x4] =	stream.indirect.gather [spmem:s1], $0x80, s22, s10, $0xb8;
	[tilespmem:$0x10428] =	vst v63  }
0x21: {  	s15 =	simm.s32 $0xA0C8;
	s16 =	simm.s32 $0x5028  }
0x22: {  	[tilespmem:s16], [sflag:$0x5] =	stream.indirect.gather [spmem:s1], $0x80, s15, s10, $0xb8;
	[tilespmem:$0x10428] =	vst v63  }
0x23: {  	s17 =	simm.s32 $0xA0F0;
	s18 =	simm.s32 $0x6428  }
0x24: {  	[tilespmem:s18], [sflag:$0x6] =	stream.indirect.gather [spmem:s1], $0x80, s17, s10, $0xb8;
	[tilespmem:$0x10428] =	vst v63  }
0x25: {  	s19 =	simm.s32 $0xA118;
	s20 =	simm.s32 $0x7828;
	s22 =	sand.u32 $0x7, s2  }
0x26: {  	[tilespmem:s20], [sflag:$0x7] =	stream.indirect.gather [spmem:s1], $0x80, s19, s10, $0xb8;
	[tilespmem:$0x10428] =	vst v63  }
0x27: {  	s21 =	simm.s32 $0xA140;
	s23 =	smul.u32 $0x5000, s22;
	s15 =	sadd.s32 $0x1, s22  }
0x28: {  	[tilespmem:s24], [sflag:$0x8] =	stream.indirect.gather [spmem:s1], $0x80, s21, s10, $0xb8;
	[tilespmem:$0x10428] =	vst v63  }
0x29: {  	p1 =	por $0x0, $0x0;
	_ =	swait.ge [sflag:s15], $0x1400  }
0x2a: {  	s13 =	sadd.s32 $0x9, s22;
	s14 =	sshrl.u32 s23, $0x2;
	[sflag:s15] =	ssyncset.done $0x0  }
0x2b: {  	s18 =	simm.s32 $0x1;
	s20 =	sor.u32 $0x28, s14;
	[sflag:s15] =	ssyncadd.s32 $0xFFFFEC00  }
0x2c: {  	[hbm4b:s6+s2] =	stream.linear.scatter [tilespmem:s20], [sflag:s13], $0x1400, $0x38;
	[tilespmem:$0x10428] =	vst v63  }
0x2d: {  	s16 =	simm.s32 $0xA168;
	s17 =	sand.u32 $0x7, s18;
	_ =	swait.ge @!p1 [sflag:s13], $0x1400  }
0x2e: {  	s19 =	simm.s32 $0x2;
	s14 =	sadd.s32 $0x280, s6;
	[sflag:s13] =	ssyncset.done @!p1 $0x0  }
0x2f: {  	s21 =	simm.s32 @!p1 $0x28;
	[sflag:s13] =	ssyncadd.s32 @!p1 $0xFFFFEC00;
	s13 =	simm.s32 $0xA190  }
.LBB2_2:
0x30: {  	[tilespmem:s20], [sflag:s15] =	stream.indirect.gather @!p1 [spmem:s1], $0x80, s16, s21, $0xb8;
	[tilespmem:$0x10428] =	vst v63  }
0x31: {  	s21 =	smov.u32 s19;
	s16 =	smov.u32 s13;
	s22 =	sand.u32 $0x7, s19  }
0x32: {  	s20 =	smul.u32 $0x5000, s17;
	s15 =	sadd.s32 $0x1, s17;
	s19 =	sadd.s32 $0x1, s19  }
0x33: {  	p1 =	sgt.u32 s18, $0x277;
	s23 =	sadd.s32 $0x9, s17;
	_ =	swait.ge [sflag:s15], $0x1400  }
0x34: {  	p2 =	sne.s32 s19, $0x280;
	s18 =	sshrl.u32 s20, $0x2;
	[sflag:s15] =	ssyncset.done $0x0  }
.Ltmp0:
0x35: {  	s20 =	sor.u32 $0x28, s18;
	[sflag:s15] =	ssyncadd.s32 $0xFFFFEC00;
	(pc) =	sbr.rel @p2 .LBB2_2-.Ltmp0, $4  }
0x36: {  	[hbm4b:s14+s2] =	stream.linear.scatter [tilespmem:s20], [sflag:s23], $0x1400, $0x38;
	[tilespmem:$0x10428] =	vst v63  }
0x37: {  	s17 =	smov.u32 s22;
	_ =	swait.ge @!p1 [sflag:s23], $0x1400  }
0x38: {  	s18 =	smov.u32 s21;
	s14 =	sadd.s32 $0x280, s14;
	[sflag:s23] =	ssyncset.done @!p1 $0x0  }
0x39: {  	s13 =	sadd.s32 $0x28, s13;
	s21 =	simm.s32 @!p1 $0x28;
	[sflag:s23] =	ssyncadd.s32 @!p1 $0xFFFFEC00  }
0x3a: {  	[tilespmem:s20], [sflag:s15] =	stream.indirect.gather @!p1 [spmem:s1], $0x80, s16, s21, $0xb8;
	[tilespmem:$0x10428] =	vst v63  }
0x3b: {  	s23 =	smul.u32 $0x5000, s17;
	s16 =	sadd.s32 $0x1, s17  }
0x3c: {  	_ =	swait.ge [sflag:s16], $0x1400  }
0x3d: {  	p1 =	sgt.u32 s18, $0x277;
	s15 =	sshrl.u32 s23, $0x2;
	[sflag:s16] =	ssyncset.done $0x0  }
0x3e: {  	s17 =	sadd.s32 $0x9, s17;
	s15 =	sor.u32 $0x28, s15;
	[sflag:s16] =	ssyncadd.s32 $0xFFFFEC00  }
0x3f: {  	[hbm4b:s14+s2] =	stream.linear.scatter [tilespmem:s15], [sflag:s17], $0x1400, $0x38;
	[tilespmem:$0x10428] =	vst v63  }
0x40: {  	_ =	swait.ge @!p1 [sflag:s17], $0x1400  }
0x41: {  	[sflag:s17] =	ssyncset.done @!p1 $0x0  }
0x42: {  	s14 =	simm.s32 @!p1 $0x28;
	[sflag:s17] =	ssyncadd.s32 @!p1 $0xFFFFEC00  }
0x43: {  	[tilespmem:s15], [sflag:s16] =	stream.indirect.gather @!p1 [spmem:s1], $0x80, s13, s14, $0xb8;
	[tilespmem:$0x10428] =	vst v63  }
0x44: {  	_ =	swait.ge [sflag:s25], $0x1400  }
0x45: {  	[sflag:s25] =	ssyncset.done $0x0  }
0x46: {  	[sflag:s25] =	ssyncadd.s32 $0xFFFFEC00  }
0x47: {  	_ =	swait.ge [sflag:s26], $0x1400  }
0x48: {  	[sflag:s26] =	ssyncset.done $0x0  }
0x49: {  	[sflag:s26] =	ssyncadd.s32 $0xFFFFEC00  }
0x4a: {  	_ =	swait.ge [sflag:s28], $0x1400  }
0x4b: {  	[sflag:s28] =	ssyncset.done $0x0  }
0x4c: {  	[sflag:s28] =	ssyncadd.s32 $0xFFFFEC00  }
0x4d: {  	_ =	swait.ge [sflag:s29], $0x1400  }
0x4e: {  	[sflag:s29] =	ssyncset.done $0x0  }
0x4f: {  	[sflag:s29] =	ssyncadd.s32 $0xFFFFEC00  }
0x50: {  	_ =	swait.ge [sflag:s30], $0x1400  }
0x51: {  	[sflag:s30] =	ssyncset.done $0x0  }
0x52: {  	[sflag:s30] =	ssyncadd.s32 $0xFFFFEC00  }
0x53: {  	_ =	swait.ge [sflag:s31], $0x1400  }
0x54: {  	[sflag:s31] =	ssyncset.done $0x0  }
0x55: {  	s12 =	sadd.s32 $0x1, s12;
	[sflag:s31] =	ssyncadd.s32 $0xFFFFEC00  }
0x56: {  	p1 =	sne.s32 s12, s5;
	_ =	swait.ge [sflag:s0], $0x1400  }
.Ltmp1:
0x57: {  	[sflag:s0] =	ssyncset.done $0x0;
	(pc) =	sbr.rel @p1 .LBB2_1-.Ltmp1, $4  }
0x58: {  	[sflag:s0] =	ssyncadd.s32 $0xFFFFEC00  }
0x59: {  	_ =	swait.ge [sflag:s11], $0x1400  }
0x5a: {  	[sflag:s11] =	ssyncset.done $0x0  }
0x5b: {  	[sflag:s11] =	ssyncadd.s32 $0xFFFFEC00  }
0x5c: {  	_ =	sfence.sel $0x180000  }
0x5d: {  	[bflag:$0x0] =	sbarrier.arrive $0xFFFF  }
0x5e: {  	_ =	strace $0x90000047  }
0x5f: {  	[bflag:$0x2] =	sbarrier.arrive $0xFFFF  }
0x60: {  	s0 =	rddreg [dreg:$0x3]  }
0x61: {  	s0 =	sadd.s32 @!p0 $0x100000, s0  }
0x62: {  	[sflag:s0] =	ssyncadd.tile.s32 @!p0 $0x1;
	_ =	shalt  }
.Lfunc_end2:
_tile_overlayer_lowered:
.L_overlay_start_2:
0x63: {  	(tag) =	ssettag $0x2  }
0x64: {  	s0 =	rddreg [dreg:$0x0];
	s2 =	stileid.u32  }
0x65: {  	s1 =	rddreg [dreg:$0x1];
	p0 =	sne.s32 s2, $0x0  }
0x66: {  	s3 =	rddreg [dreg:$0x2];
	[bflag:$0x3] =	sbarrier.arrive $0xFFFF;
	s2 =	simm.s32 @!p0 $0x1C11  }
0x67: {  	[timem:s3], [sflag:s2] =	dma.local @!p0 [hbm:s0], s1  }
0x68: {  	s0 =	simm.s32 @!p0 $0x11  }
0x69: {  	_ =	swait.ge @!p0 [sflag:s0], s1  }
0x6a: {  	s1 =	ssub.s32 @!p0 $0x0, s1;
	[sflag:s0] =	ssyncset.done @!p0 $0x0  }
0x6b: {  	[sflag:s0] =	ssyncadd.s32 @!p0 s1  }
0x6c: {  	[bflag:$0x3] =	sbarrier.arrive $0xFFFF  }
0x6d: {  	_ =	shalt  }

</sc_bundles>
